<compile_context>
chip_gen: v7x
topology: tpu7x:2x2x1
jax: 0.10.2.dev20260603
libtpu: 0.0.44.dev20260713+nightly
codegen_flags: <defaults>
</compile_context>

<pallas_src>
import functools

import jax
import jax.numpy as jnp
from jax import lax
from jax.experimental import pallas as pl
from jax.experimental.pallas import tpu as pltpu
from jax.experimental.pallas import tpu_sc as plsc

VOCAB = 1000000
DIM = 64
B = 16384
NEG = 5

NC = 2
NS = 16
NW = NC * NS

CHUNK = 512
POS_PER_W = B // NW
NEG_PER_W = (B * NEG) // NW
NEG_CHUNKS = NEG_PER_W // CHUNK
N_CHUNKS = 2 + NEG_CHUNKS


def _body(iw, ow, ng, tin, tout, o_in, o_out, o_neg, *rest):
    idx_bufs = rest[:N_CHUNKS]
    rows_v, sem = rest[N_CHUNKS], rest[N_CHUNKS + 1]
    wid = lax.axis_index("s") * NC + lax.axis_index("c")
    pos_base = wid * POS_PER_W
    neg_base = wid * NEG_PER_W

    pltpu.sync_copy(iw.at[pl.ds(pos_base, CHUNK)], idx_bufs[0])
    pltpu.sync_copy(ow.at[pl.ds(pos_base, CHUNK)], idx_bufs[1])
    for c in range(NEG_CHUNKS):
        pltpu.sync_copy(ng.at[pl.ds(neg_base + c * CHUNK, CHUNK)],
                        idx_bufs[2 + c])

    tasks = [(tin, 0, o_in, pos_base), (tout, 1, o_out, pos_base)]
    tasks += [(tout, 2 + c, o_neg, neg_base + c * CHUNK)
              for c in range(NEG_CHUNKS)]

    for table, row, out, base in tasks:
        pltpu.async_copy(table.at[idx_bufs[row]], rows_v, sem).wait()
        pltpu.sync_copy(rows_v, out.at[pl.ds(base, CHUNK)])


_sc_gather = functools.partial(
    pl.kernel,
    out_type=[
        jax.ShapeDtypeStruct((B, DIM), jnp.float32),
        jax.ShapeDtypeStruct((B, DIM), jnp.float32),
        jax.ShapeDtypeStruct((B * NEG, DIM), jnp.float32),
    ],
    mesh=plsc.VectorSubcoreMesh(
        core_axis_name="c", subcore_axis_name="s",
        num_cores=NC, num_subcores=NS),
    compiler_params=pltpu.CompilerParams(use_tc_tiling_on_sc=False),
    scratch_types=(
        [pltpu.VMEM((CHUNK,), jnp.int32) for _ in range(N_CHUNKS)]
        + [pltpu.VMEM((CHUNK, DIM), jnp.float32),
           pltpu.SemaphoreType.DMA]
    ),
)(_body)


def kernel(input_words, output_words, neg_words, in_table, out_table):
    o_in, o_out, o_neg = _sc_gather(
        input_words.astype(jnp.int32), output_words.astype(jnp.int32),
        neg_words.astype(jnp.int32), in_table, out_table)
    return o_in, o_out, o_neg.reshape(B, NEG, DIM)

# --- scband reference (transcript-rebuilt; emitter-appended) ---
"""Pipeline reference for scband-skip-gram-neg-71914932404588 (READ-ONLY COPY).

The authoritative reference and input builder live on the scoring server;
editing this copy changes nothing except your own understanding.
"""

import jax, jax.numpy as jnp
import numpy as np

VOCAB = 1000000
DIM = 64
B = 16384
NEG = 5


def setup_inputs(seed: int = 0) -> dict:
    key = jax.random.key(seed)
    k1, k2, k3, k4, k5 = jax.random.split(key, 5)
    input_words = jax.random.randint(k1, (B,), 0, VOCAB, dtype=jnp.int64 if jax.config.jax_enable_x64 else jnp.int32)
    output_words = jax.random.randint(k2, (B,), 0, VOCAB, dtype=jnp.int64 if jax.config.jax_enable_x64 else jnp.int32)
    neg_words = jax.random.randint(k3, (B * NEG,), 0, VOCAB, dtype=jnp.int64 if jax.config.jax_enable_x64 else jnp.int32)
    in_table = jax.random.normal(k4, (VOCAB, DIM), dtype=jnp.float32) * 0.02
    out_table = jax.random.normal(k5, (VOCAB, DIM), dtype=jnp.float32) * 0.02
    return {
        "input_words": input_words,
        "output_words": output_words,
        "neg_words": neg_words,
        "in_table": in_table,
        "out_table": out_table,
    }


def reference(input_words, output_words, neg_words, in_table, out_table):
    # forward_input: in_embed lookup
    input_vectors = jnp.take(in_table, input_words, axis=0)
    # forward_output: out_embed lookup
    output_vectors = jnp.take(out_table, output_words, axis=0)
    # generate_neg_samples: out_embed lookup on pre-sampled noise words,
    # reshaped to (extended_batch_size, neg_sample_size, embed_dim)
    neg_vectors = jnp.take(out_table, neg_words, axis=0).reshape(B, NEG, DIM)
    return (input_vectors, output_vectors, neg_vectors)

if __name__ == "__main__":
    import jax
    _d = setup_inputs()
    print(jax.jit(kernel)(*tuple(_d.values())))

</pallas_src>

<mosaic_0001>
#map = affine_map<(d0, d1) -> (0)>
#map1 = affine_map<(d0, d1) -> (0, 0)>
module attributes {stable_mosaic.version = 14 : i64} {
  func.func @_body(%arg0: i32, %arg1: i32, %arg2: memref<16384xi32, #tpu.memory_space<hbm>>, %arg3: memref<16384xi32, #tpu.memory_space<hbm>>, %arg4: memref<81920xi32, #tpu.memory_space<hbm>>, %arg5: memref<1000000x64xf32, #tpu.memory_space<hbm>>, %arg6: memref<1000000x64xf32, #tpu.memory_space<hbm>>, %arg7: memref<16384x64xf32, #tpu.memory_space<hbm>>, %arg8: memref<16384x64xf32, #tpu.memory_space<hbm>>, %arg9: memref<81920x64xf32, #tpu.memory_space<hbm>>, %arg10: memref<512xi32, #tpu.memory_space<vmem>>, %arg11: memref<512xi32, #tpu.memory_space<vmem>>, %arg12: memref<512xi32, #tpu.memory_space<vmem>>, %arg13: memref<512xi32, #tpu.memory_space<vmem>>, %arg14: memref<512xi32, #tpu.memory_space<vmem>>, %arg15: memref<512xi32, #tpu.memory_space<vmem>>, %arg16: memref<512xi32, #tpu.memory_space<vmem>>, %arg17: memref<512x64xf32, #tpu.memory_space<vmem>>, %arg18: memref<!tpu.dma_semaphore, #tpu.memory_space<semaphore_mem>>) attributes {dimension_semantics = [#tpu.dimension_semantics<core_parallel>, #tpu.dimension_semantics<subcore_parallel>], iteration_bounds = array<i64: 2, 16>, scalar_prefetch = 0 : i64, scratch_operands = 9 : i64, tpu.core_type = #tpu.core_type<sc_vector_subcore>, window_params = [{transform_indices = #map}, {transform_indices = #map}, {transform_indices = #map}, {transform_indices = #map1}, {transform_indices = #map1}, {transform_indices = #map1}, {transform_indices = #map1}, {transform_indices = #map1}]} {
    %mul3A = arith.constant 2 : i32
    %mul3A_0 = arith.muli %arg1, %mul3A : i32
    %add3A = arith.addi %mul3A_0, %arg0 : i32
    %mul3A_1 = arith.constant 512 : i32
    %mul3A_2 = arith.muli %add3A, %mul3A_1 : i32
    %mul3A_3 = arith.constant 2560 : i32
    %mul3A_4 = arith.muli %add3A, %mul3A_3 : i32
    "tpu.region"() ({
      %run_scoped3A = tpu.sem_alloc : memref<!tpu.dma_semaphore, #tpu.memory_space<semaphore_mem>>
      %dma_start3A_65 = tpu.memref_slice %arg2[%mul3A_2] : memref<16384xi32, #tpu.memory_space<hbm>> -> memref<512xi32, #tpu.memory_space<hbm>>
      %dma_start3A_66 = tpu.memref_slice %arg2[%mul3A_2] : memref<16384xi32, #tpu.memory_space<hbm>> -> memref<512xi32, #tpu.memory_space<hbm>>
      tpu.enqueue_dma source(%dma_start3A_66 : memref<512xi32, #tpu.memory_space<hbm>>) target(%arg10 : memref<512xi32, #tpu.memory_space<vmem>>) target_semaphore(%run_scoped3A : memref<!tpu.dma_semaphore, #tpu.memory_space<semaphore_mem>>)
      %dma_wait3A_67 = tpu.memref_slice %arg2[%mul3A_2] : memref<16384xi32, #tpu.memory_space<hbm>> -> memref<512xi32, #tpu.memory_space<hbm>>
      %dma_wait3A_68 = tpu.memref_slice %arg2[%mul3A_2] : memref<16384xi32, #tpu.memory_space<hbm>> -> memref<512xi32, #tpu.memory_space<hbm>>
      tpu.wait_dma2 semaphore(%run_scoped3A : memref<!tpu.dma_semaphore, #tpu.memory_space<semaphore_mem>>) src(%dma_wait3A_68 : memref<512xi32, #tpu.memory_space<hbm>>) dst(%arg10 : memref<512xi32, #tpu.memory_space<vmem>>)
      tpu.yield
    }) : () -> ()
    "tpu.region"() ({
      %run_scoped3A = tpu.sem_alloc : memref<!tpu.dma_semaphore, #tpu.memory_space<semaphore_mem>>
      %dma_start3A_65 = tpu.memref_slice %arg3[%mul3A_2] : memref<16384xi32, #tpu.memory_space<hbm>> -> memref<512xi32, #tpu.memory_space<hbm>>
      %dma_start3A_66 = tpu.memref_slice %arg3[%mul3A_2] : memref<16384xi32, #tpu.memory_space<hbm>> -> memref<512xi32, #tpu.memory_space<hbm>>
      tpu.enqueue_dma source(%dma_start3A_66 : memref<512xi32, #tpu.memory_space<hbm>>) target(%arg11 : memref<512xi32, #tpu.memory_space<vmem>>) target_semaphore(%run_scoped3A : memref<!tpu.dma_semaphore, #tpu.memory_space<semaphore_mem>>)
      %dma_wait3A_67 = tpu.memref_slice %arg3[%mul3A_2] : memref<16384xi32, #tpu.memory_space<hbm>> -> memref<512xi32, #tpu.memory_space<hbm>>
      %dma_wait3A_68 = tpu.memref_slice %arg3[%mul3A_2] : memref<16384xi32, #tpu.memory_space<hbm>> -> memref<512xi32, #tpu.memory_space<hbm>>
      tpu.wait_dma2 semaphore(%run_scoped3A : memref<!tpu.dma_semaphore, #tpu.memory_space<semaphore_mem>>) src(%dma_wait3A_68 : memref<512xi32, #tpu.memory_space<hbm>>) dst(%arg11 : memref<512xi32, #tpu.memory_space<vmem>>)
      tpu.yield
    }) : () -> ()
    %add3A_5 = arith.constant 0 : i32
    %add3A_6 = arith.addi %mul3A_4, %add3A_5 : i32
    "tpu.region"() ({
      %run_scoped3A = tpu.sem_alloc : memref<!tpu.dma_semaphore, #tpu.memory_space<semaphore_mem>>
      %dma_start3A_65 = tpu.memref_slice %arg4[%add3A_6] : memref<81920xi32, #tpu.memory_space<hbm>> -> memref<512xi32, #tpu.memory_space<hbm>>
      %dma_start3A_66 = tpu.memref_slice %arg4[%add3A_6] : memref<81920xi32, #tpu.memory_space<hbm>> -> memref<512xi32, #tpu.memory_space<hbm>>
      tpu.enqueue_dma source(%dma_start3A_66 : memref<512xi32, #tpu.memory_space<hbm>>) target(%arg12 : memref<512xi32, #tpu.memory_space<vmem>>) target_semaphore(%run_scoped3A : memref<!tpu.dma_semaphore, #tpu.memory_space<semaphore_mem>>)
      %dma_wait3A_67 = tpu.memref_slice %arg4[%add3A_6] : memref<81920xi32, #tpu.memory_space<hbm>> -> memref<512xi32, #tpu.memory_space<hbm>>
      %dma_wait3A_68 = tpu.memref_slice %arg4[%add3A_6] : memref<81920xi32, #tpu.memory_space<hbm>> -> memref<512xi32, #tpu.memory_space<hbm>>
      tpu.wait_dma2 semaphore(%run_scoped3A : memref<!tpu.dma_semaphore, #tpu.memory_space<semaphore_mem>>) src(%dma_wait3A_68 : memref<512xi32, #tpu.memory_space<hbm>>) dst(%arg12 : memref<512xi32, #tpu.memory_space<vmem>>)
      tpu.yield
    }) : () -> ()
    %add3A_7 = arith.constant 512 : i32
    %add3A_8 = arith.addi %mul3A_4, %add3A_7 : i32
    "tpu.region"() ({
      %run_scoped3A = tpu.sem_alloc : memref<!tpu.dma_semaphore, #tpu.memory_space<semaphore_mem>>
      %dma_start3A_65 = tpu.memref_slice %arg4[%add3A_8] : memref<81920xi32, #tpu.memory_space<hbm>> -> memref<512xi32, #tpu.memory_space<hbm>>
      %dma_start3A_66 = tpu.memref_slice %arg4[%add3A_8] : memref<81920xi32, #tpu.memory_space<hbm>> -> memref<512xi32, #tpu.memory_space<hbm>>
      tpu.enqueue_dma source(%dma_start3A_66 : memref<512xi32, #tpu.memory_space<hbm>>) target(%arg13 : memref<512xi32, #tpu.memory_space<vmem>>) target_semaphore(%run_scoped3A : memref<!tpu.dma_semaphore, #tpu.memory_space<semaphore_mem>>)
      %dma_wait3A_67 = tpu.memref_slice %arg4[%add3A_8] : memref<81920xi32, #tpu.memory_space<hbm>> -> memref<512xi32, #tpu.memory_space<hbm>>
      %dma_wait3A_68 = tpu.memref_slice %arg4[%add3A_8] : memref<81920xi32, #tpu.memory_space<hbm>> -> memref<512xi32, #tpu.memory_space<hbm>>
      tpu.wait_dma2 semaphore(%run_scoped3A : memref<!tpu.dma_semaphore, #tpu.memory_space<semaphore_mem>>) src(%dma_wait3A_68 : memref<512xi32, #tpu.memory_space<hbm>>) dst(%arg13 : memref<512xi32, #tpu.memory_space<vmem>>)
      tpu.yield
    }) : () -> ()
    %add3A_9 = arith.constant 1024 : i32
    %add3A_10 = arith.addi %mul3A_4, %add3A_9 : i32
    "tpu.region"() ({
      %run_scoped3A = tpu.sem_alloc : memref<!tpu.dma_semaphore, #tpu.memory_space<semaphore_mem>>
      %dma_start3A_65 = tpu.memref_slice %arg4[%add3A_10] : memref<81920xi32, #tpu.memory_space<hbm>> -> memref<512xi32, #tpu.memory_space<hbm>>
      %dma_start3A_66 = tpu.memref_slice %arg4[%add3A_10] : memref<81920xi32, #tpu.memory_space<hbm>> -> memref<512xi32, #tpu.memory_space<hbm>>
      tpu.enqueue_dma source(%dma_start3A_66 : memref<512xi32, #tpu.memory_space<hbm>>) target(%arg14 : memref<512xi32, #tpu.memory_space<vmem>>) target_semaphore(%run_scoped3A : memref<!tpu.dma_semaphore, #tpu.memory_space<semaphore_mem>>)
      %dma_wait3A_67 = tpu.memref_slice %arg4[%add3A_10] : memref<81920xi32, #tpu.memory_space<hbm>> -> memref<512xi32, #tpu.memory_space<hbm>>
      %dma_wait3A_68 = tpu.memref_slice %arg4[%add3A_10] : memref<81920xi32, #tpu.memory_space<hbm>> -> memref<512xi32, #tpu.memory_space<hbm>>
      tpu.wait_dma2 semaphore(%run_scoped3A : memref<!tpu.dma_semaphore, #tpu.memory_space<semaphore_mem>>) src(%dma_wait3A_68 : memref<512xi32, #tpu.memory_space<hbm>>) dst(%arg14 : memref<512xi32, #tpu.memory_space<vmem>>)
      tpu.yield
    }) : () -> ()
    %add3A_11 = arith.constant 1536 : i32
    %add3A_12 = arith.addi %mul3A_4, %add3A_11 : i32
    "tpu.region"() ({
      %run_scoped3A = tpu.sem_alloc : memref<!tpu.dma_semaphore, #tpu.memory_space<semaphore_mem>>
      %dma_start3A_65 = tpu.memref_slice %arg4[%add3A_12] : memref<81920xi32, #tpu.memory_space<hbm>> -> memref<512xi32, #tpu.memory_space<hbm>>
      %dma_start3A_66 = tpu.memref_slice %arg4[%add3A_12] : memref<81920xi32, #tpu.memory_space<hbm>> -> memref<512xi32, #tpu.memory_space<hbm>>
      tpu.enqueue_dma source(%dma_start3A_66 : memref<512xi32, #tpu.memory_space<hbm>>) target(%arg15 : memref<512xi32, #tpu.memory_space<vmem>>) target_semaphore(%run_scoped3A : memref<!tpu.dma_semaphore, #tpu.memory_space<semaphore_mem>>)
      %dma_wait3A_67 = tpu.memref_slice %arg4[%add3A_12] : memref<81920xi32, #tpu.memory_space<hbm>> -> memref<512xi32, #tpu.memory_space<hbm>>
      %dma_wait3A_68 = tpu.memref_slice %arg4[%add3A_12] : memref<81920xi32, #tpu.memory_space<hbm>> -> memref<512xi32, #tpu.memory_space<hbm>>
      tpu.wait_dma2 semaphore(%run_scoped3A : memref<!tpu.dma_semaphore, #tpu.memory_space<semaphore_mem>>) src(%dma_wait3A_68 : memref<512xi32, #tpu.memory_space<hbm>>) dst(%arg15 : memref<512xi32, #tpu.memory_space<vmem>>)
      tpu.yield
    }) : () -> ()
    %add3A_13 = arith.constant 2048 : i32
    %add3A_14 = arith.addi %mul3A_4, %add3A_13 : i32
    "tpu.region"() ({
      %run_scoped3A = tpu.sem_alloc : memref<!tpu.dma_semaphore, #tpu.memory_space<semaphore_mem>>
      %dma_start3A_65 = tpu.memref_slice %arg4[%add3A_14] : memref<81920xi32, #tpu.memory_space<hbm>> -> memref<512xi32, #tpu.memory_space<hbm>>
      %dma_start3A_66 = tpu.memref_slice %arg4[%add3A_14] : memref<81920xi32, #tpu.memory_space<hbm>> -> memref<512xi32, #tpu.memory_space<hbm>>
      tpu.enqueue_dma source(%dma_start3A_66 : memref<512xi32, #tpu.memory_space<hbm>>) target(%arg16 : memref<512xi32, #tpu.memory_space<vmem>>) target_semaphore(%run_scoped3A : memref<!tpu.dma_semaphore, #tpu.memory_space<semaphore_mem>>)
      %dma_wait3A_67 = tpu.memref_slice %arg4[%add3A_14] : memref<81920xi32, #tpu.memory_space<hbm>> -> memref<512xi32, #tpu.memory_space<hbm>>
      %dma_wait3A_68 = tpu.memref_slice %arg4[%add3A_14] : memref<81920xi32, #tpu.memory_space<hbm>> -> memref<512xi32, #tpu.memory_space<hbm>>
      tpu.wait_dma2 semaphore(%run_scoped3A : memref<!tpu.dma_semaphore, #tpu.memory_space<semaphore_mem>>) src(%dma_wait3A_68 : memref<512xi32, #tpu.memory_space<hbm>>) dst(%arg16 : memref<512xi32, #tpu.memory_space<vmem>>)
      tpu.yield
    }) : () -> ()
    %add3A_15 = arith.constant 0 : i32
    %add3A_16 = arith.addi %mul3A_4, %add3A_15 : i32
    %add3A_17 = arith.constant 512 : i32
    %add3A_18 = arith.addi %mul3A_4, %add3A_17 : i32
    %add3A_19 = arith.constant 1024 : i32
    %add3A_20 = arith.addi %mul3A_4, %add3A_19 : i32
    %add3A_21 = arith.constant 1536 : i32
    %add3A_22 = arith.addi %mul3A_4, %add3A_21 : i32
    %add3A_23 = arith.constant 2048 : i32
    %add3A_24 = arith.addi %mul3A_4, %add3A_23 : i32
    %dma_start3A = arith.constant 0 : i32
    %dma_start3A_25 = arith.constant 0 : i32
    %dma_start3A_26 = tpu.memref_slice %arg5[%dma_start3A, %dma_start3A_25] : memref<1000000x64xf32, #tpu.memory_space<hbm>> -> memref<1000000x64xf32, #tpu.memory_space<hbm>>
    tpu.enqueue_indirect_dma source(%dma_start3A_26 : memref<1000000x64xf32, #tpu.memory_space<hbm>>) target(%arg17 : memref<512x64xf32, #tpu.memory_space<vmem>>) offsets(%arg10 : memref<512xi32, #tpu.memory_space<vmem>>) semaphore(%arg18 : memref<!tpu.dma_semaphore, #tpu.memory_space<semaphore_mem>>)
    %dma_wait3A = arith.constant 0 : i32
    %dma_wait3A_27 = arith.constant 0 : i32
    %dma_wait3A_28 = tpu.memref_slice %arg5[%dma_wait3A, %dma_wait3A_27] : memref<1000000x64xf32, #tpu.memory_space<hbm>> -> memref<1000000x64xf32, #tpu.memory_space<hbm>>
    tpu.wait_indirect_dma semaphore(%arg18 : memref<!tpu.dma_semaphore, #tpu.memory_space<semaphore_mem>>) src(%dma_wait3A_28 : memref<1000000x64xf32, #tpu.memory_space<hbm>>) dst(%arg17 : memref<512x64xf32, #tpu.memory_space<vmem>>)
    "tpu.region"() ({
      %run_scoped3A = tpu.sem_alloc : memref<!tpu.dma_semaphore, #tpu.memory_space<semaphore_mem>>
      %dma_start3A_65 = arith.constant 0 : i32
      %dma_start3A_66 = tpu.memref_slice %arg7[%mul3A_2, %dma_start3A_65] : memref<16384x64xf32, #tpu.memory_space<hbm>> -> memref<512x64xf32, #tpu.memory_space<hbm>>
      %dma_start3A_67 = arith.constant 0 : i32
      %dma_start3A_68 = tpu.memref_slice %arg7[%mul3A_2, %dma_start3A_67] : memref<16384x64xf32, #tpu.memory_space<hbm>> -> memref<512x64xf32, #tpu.memory_space<hbm>>
      tpu.enqueue_dma source(%arg17 : memref<512x64xf32, #tpu.memory_space<vmem>>) target(%dma_start3A_68 : memref<512x64xf32, #tpu.memory_space<hbm>>) target_semaphore(%run_scoped3A : memref<!tpu.dma_semaphore, #tpu.memory_space<semaphore_mem>>)
      %dma_wait3A_69 = arith.constant 0 : i32
      %dma_wait3A_70 = tpu.memref_slice %arg7[%mul3A_2, %dma_wait3A_69] : memref<16384x64xf32, #tpu.memory_space<hbm>> -> memref<512x64xf32, #tpu.memory_space<hbm>>
      %dma_wait3A_71 = arith.constant 0 : i32
      %dma_wait3A_72 = tpu.memref_slice %arg7[%mul3A_2, %dma_wait3A_71] : memref<16384x64xf32, #tpu.memory_space<hbm>> -> memref<512x64xf32, #tpu.memory_space<hbm>>
      tpu.wait_dma2 semaphore(%run_scoped3A : memref<!tpu.dma_semaphore, #tpu.memory_space<semaphore_mem>>) src(%arg17 : memref<512x64xf32, #tpu.memory_space<vmem>>) dst(%dma_wait3A_72 : memref<512x64xf32, #tpu.memory_space<hbm>>)
      tpu.yield
    }) : () -> ()
    %dma_start3A_29 = arith.constant 0 : i32
    %dma_start3A_30 = arith.constant 0 : i32
    %dma_start3A_31 = tpu.memref_slice %arg6[%dma_start3A_29, %dma_start3A_30] : memref<1000000x64xf32, #tpu.memory_space<hbm>> -> memref<1000000x64xf32, #tpu.memory_space<hbm>>
    tpu.enqueue_indirect_dma source(%dma_start3A_31 : memref<1000000x64xf32, #tpu.memory_space<hbm>>) target(%arg17 : memref<512x64xf32, #tpu.memory_space<vmem>>) offsets(%arg11 : memref<512xi32, #tpu.memory_space<vmem>>) semaphore(%arg18 : memref<!tpu.dma_semaphore, #tpu.memory_space<semaphore_mem>>)
    %dma_wait3A_32 = arith.constant 0 : i32
    %dma_wait3A_33 = arith.constant 0 : i32
    %dma_wait3A_34 = tpu.memref_slice %arg6[%dma_wait3A_32, %dma_wait3A_33] : memref<1000000x64xf32, #tpu.memory_space<hbm>> -> memref<1000000x64xf32, #tpu.memory_space<hbm>>
    tpu.wait_indirect_dma semaphore(%arg18 : memref<!tpu.dma_semaphore, #tpu.memory_space<semaphore_mem>>) src(%dma_wait3A_34 : memref<1000000x64xf32, #tpu.memory_space<hbm>>) dst(%arg17 : memref<512x64xf32, #tpu.memory_space<vmem>>)
    "tpu.region"() ({
      %run_scoped3A = tpu.sem_alloc : memref<!tpu.dma_semaphore, #tpu.memory_space<semaphore_mem>>
      %dma_start3A_65 = arith.constant 0 : i32
      %dma_start3A_66 = tpu.memref_slice %arg8[%mul3A_2, %dma_start3A_65] : memref<16384x64xf32, #tpu.memory_space<hbm>> -> memref<512x64xf32, #tpu.memory_space<hbm>>
      %dma_start3A_67 = arith.constant 0 : i32
      %dma_start3A_68 = tpu.memref_slice %arg8[%mul3A_2, %dma_start3A_67] : memref<16384x64xf32, #tpu.memory_space<hbm>> -> memref<512x64xf32, #tpu.memory_space<hbm>>
      tpu.enqueue_dma source(%arg17 : memref<512x64xf32, #tpu.memory_space<vmem>>) target(%dma_start3A_68 : memref<512x64xf32, #tpu.memory_space<hbm>>) target_semaphore(%run_scoped3A : memref<!tpu.dma_semaphore, #tpu.memory_space<semaphore_mem>>)
      %dma_wait3A_69 = arith.constant 0 : i32
      %dma_wait3A_70 = tpu.memref_slice %arg8[%mul3A_2, %dma_wait3A_69] : memref<16384x64xf32, #tpu.memory_space<hbm>> -> memref<512x64xf32, #tpu.memory_space<hbm>>
      %dma_wait3A_71 = arith.constant 0 : i32
      %dma_wait3A_72 = tpu.memref_slice %arg8[%mul3A_2, %dma_wait3A_71] : memref<16384x64xf32, #tpu.memory_space<hbm>> -> memref<512x64xf32, #tpu.memory_space<hbm>>
      tpu.wait_dma2 semaphore(%run_scoped3A : memref<!tpu.dma_semaphore, #tpu.memory_space<semaphore_mem>>) src(%arg17 : memref<512x64xf32, #tpu.memory_space<vmem>>) dst(%dma_wait3A_72 : memref<512x64xf32, #tpu.memory_space<hbm>>)
      tpu.yield
    }) : () -> ()
    %dma_start3A_35 = arith.constant 0 : i32
    %dma_start3A_36 = arith.constant 0 : i32
    %dma_start3A_37 = tpu.memref_slice %arg6[%dma_start3A_35, %dma_start3A_36] : memref<1000000x64xf32, #tpu.memory_space<hbm>> -> memref<1000000x64xf32, #tpu.memory_space<hbm>>
    tpu.enqueue_indirect_dma source(%dma_start3A_37 : memref<1000000x64xf32, #tpu.memory_space<hbm>>) target(%arg17 : memref<512x64xf32, #tpu.memory_space<vmem>>) offsets(%arg12 : memref<512xi32, #tpu.memory_space<vmem>>) semaphore(%arg18 : memref<!tpu.dma_semaphore, #tpu.memory_space<semaphore_mem>>)
    %dma_wait3A_38 = arith.constant 0 : i32
    %dma_wait3A_39 = arith.constant 0 : i32
    %dma_wait3A_40 = tpu.memref_slice %arg6[%dma_wait3A_38, %dma_wait3A_39] : memref<1000000x64xf32, #tpu.memory_space<hbm>> -> memref<1000000x64xf32, #tpu.memory_space<hbm>>
    tpu.wait_indirect_dma semaphore(%arg18 : memref<!tpu.dma_semaphore, #tpu.memory_space<semaphore_mem>>) src(%dma_wait3A_40 : memref<1000000x64xf32, #tpu.memory_space<hbm>>) dst(%arg17 : memref<512x64xf32, #tpu.memory_space<vmem>>)
    "tpu.region"() ({
      %run_scoped3A = tpu.sem_alloc : memref<!tpu.dma_semaphore, #tpu.memory_space<semaphore_mem>>
      %dma_start3A_65 = arith.constant 0 : i32
      %dma_start3A_66 = tpu.memref_slice %arg9[%add3A_16, %dma_start3A_65] : memref<81920x64xf32, #tpu.memory_space<hbm>> -> memref<512x64xf32, #tpu.memory_space<hbm>>
      %dma_start3A_67 = arith.constant 0 : i32
      %dma_start3A_68 = tpu.memref_slice %arg9[%add3A_16, %dma_start3A_67] : memref<81920x64xf32, #tpu.memory_space<hbm>> -> memref<512x64xf32, #tpu.memory_space<hbm>>
      tpu.enqueue_dma source(%arg17 : memref<512x64xf32, #tpu.memory_space<vmem>>) target(%dma_start3A_68 : memref<512x64xf32, #tpu.memory_space<hbm>>) target_semaphore(%run_scoped3A : memref<!tpu.dma_semaphore, #tpu.memory_space<semaphore_mem>>)
      %dma_wait3A_69 = arith.constant 0 : i32
      %dma_wait3A_70 = tpu.memref_slice %arg9[%add3A_16, %dma_wait3A_69] : memref<81920x64xf32, #tpu.memory_space<hbm>> -> memref<512x64xf32, #tpu.memory_space<hbm>>
      %dma_wait3A_71 = arith.constant 0 : i32
      %dma_wait3A_72 = tpu.memref_slice %arg9[%add3A_16, %dma_wait3A_71] : memref<81920x64xf32, #tpu.memory_space<hbm>> -> memref<512x64xf32, #tpu.memory_space<hbm>>
      tpu.wait_dma2 semaphore(%run_scoped3A : memref<!tpu.dma_semaphore, #tpu.memory_space<semaphore_mem>>) src(%arg17 : memref<512x64xf32, #tpu.memory_space<vmem>>) dst(%dma_wait3A_72 : memref<512x64xf32, #tpu.memory_space<hbm>>)
      tpu.yield
    }) : () -> ()
    %dma_start3A_41 = arith.constant 0 : i32
    %dma_start3A_42 = arith.constant 0 : i32
    %dma_start3A_43 = tpu.memref_slice %arg6[%dma_start3A_41, %dma_start3A_42] : memref<1000000x64xf32, #tpu.memory_space<hbm>> -> memref<1000000x64xf32, #tpu.memory_space<hbm>>
    tpu.enqueue_indirect_dma source(%dma_start3A_43 : memref<1000000x64xf32, #tpu.memory_space<hbm>>) target(%arg17 : memref<512x64xf32, #tpu.memory_space<vmem>>) offsets(%arg13 : memref<512xi32, #tpu.memory_space<vmem>>) semaphore(%arg18 : memref<!tpu.dma_semaphore, #tpu.memory_space<semaphore_mem>>)
    %dma_wait3A_44 = arith.constant 0 : i32
    %dma_wait3A_45 = arith.constant 0 : i32
    %dma_wait3A_46 = tpu.memref_slice %arg6[%dma_wait3A_44, %dma_wait3A_45] : memref<1000000x64xf32, #tpu.memory_space<hbm>> -> memref<1000000x64xf32, #tpu.memory_space<hbm>>
    tpu.wait_indirect_dma semaphore(%arg18 : memref<!tpu.dma_semaphore, #tpu.memory_space<semaphore_mem>>) src(%dma_wait3A_46 : memref<1000000x64xf32, #tpu.memory_space<hbm>>) dst(%arg17 : memref<512x64xf32, #tpu.memory_space<vmem>>)
    "tpu.region"() ({
      %run_scoped3A = tpu.sem_alloc : memref<!tpu.dma_semaphore, #tpu.memory_space<semaphore_mem>>
      %dma_start3A_65 = arith.constant 0 : i32
      %dma_start3A_66 = tpu.memref_slice %arg9[%add3A_18, %dma_start3A_65] : memref<81920x64xf32, #tpu.memory_space<hbm>> -> memref<512x64xf32, #tpu.memory_space<hbm>>
      %dma_start3A_67 = arith.constant 0 : i32
      %dma_start3A_68 = tpu.memref_slice %arg9[%add3A_18, %dma_start3A_67] : memref<81920x64xf32, #tpu.memory_space<hbm>> -> memref<512x64xf32, #tpu.memory_space<hbm>>
      tpu.enqueue_dma source(%arg17 : memref<512x64xf32, #tpu.memory_space<vmem>>) target(%dma_start3A_68 : memref<512x64xf32, #tpu.memory_space<hbm>>) target_semaphore(%run_scoped3A : memref<!tpu.dma_semaphore, #tpu.memory_space<semaphore_mem>>)
      %dma_wait3A_69 = arith.constant 0 : i32
      %dma_wait3A_70 = tpu.memref_slice %arg9[%add3A_18, %dma_wait3A_69] : memref<81920x64xf32, #tpu.memory_space<hbm>> -> memref<512x64xf32, #tpu.memory_space<hbm>>
      %dma_wait3A_71 = arith.constant 0 : i32
      %dma_wait3A_72 = tpu.memref_slice %arg9[%add3A_18, %dma_wait3A_71] : memref<81920x64xf32, #tpu.memory_space<hbm>> -> memref<512x64xf32, #tpu.memory_space<hbm>>
      tpu.wait_dma2 semaphore(%run_scoped3A : memref<!tpu.dma_semaphore, #tpu.memory_space<semaphore_mem>>) src(%arg17 : memref<512x64xf32, #tpu.memory_space<vmem>>) dst(%dma_wait3A_72 : memref<512x64xf32, #tpu.memory_space<hbm>>)
      tpu.yield
    }) : () -> ()
    %dma_start3A_47 = arith.constant 0 : i32
    %dma_start3A_48 = arith.constant 0 : i32
    %dma_start3A_49 = tpu.memref_slice %arg6[%dma_start3A_47, %dma_start3A_48] : memref<1000000x64xf32, #tpu.memory_space<hbm>> -> memref<1000000x64xf32, #tpu.memory_space<hbm>>
    tpu.enqueue_indirect_dma source(%dma_start3A_49 : memref<1000000x64xf32, #tpu.memory_space<hbm>>) target(%arg17 : memref<512x64xf32, #tpu.memory_space<vmem>>) offsets(%arg14 : memref<512xi32, #tpu.memory_space<vmem>>) semaphore(%arg18 : memref<!tpu.dma_semaphore, #tpu.memory_space<semaphore_mem>>)
    %dma_wait3A_50 = arith.constant 0 : i32
    %dma_wait3A_51 = arith.constant 0 : i32
    %dma_wait3A_52 = tpu.memref_slice %arg6[%dma_wait3A_50, %dma_wait3A_51] : memref<1000000x64xf32, #tpu.memory_space<hbm>> -> memref<1000000x64xf32, #tpu.memory_space<hbm>>
    tpu.wait_indirect_dma semaphore(%arg18 : memref<!tpu.dma_semaphore, #tpu.memory_space<semaphore_mem>>) src(%dma_wait3A_52 : memref<1000000x64xf32, #tpu.memory_space<hbm>>) dst(%arg17 : memref<512x64xf32, #tpu.memory_space<vmem>>)
    "tpu.region"() ({
      %run_scoped3A = tpu.sem_alloc : memref<!tpu.dma_semaphore, #tpu.memory_space<semaphore_mem>>
      %dma_start3A_65 = arith.constant 0 : i32
      %dma_start3A_66 = tpu.memref_slice %arg9[%add3A_20, %dma_start3A_65] : memref<81920x64xf32, #tpu.memory_space<hbm>> -> memref<512x64xf32, #tpu.memory_space<hbm>>
      %dma_start3A_67 = arith.constant 0 : i32
      %dma_start3A_68 = tpu.memref_slice %arg9[%add3A_20, %dma_start3A_67] : memref<81920x64xf32, #tpu.memory_space<hbm>> -> memref<512x64xf32, #tpu.memory_space<hbm>>
      tpu.enqueue_dma source(%arg17 : memref<512x64xf32, #tpu.memory_space<vmem>>) target(%dma_start3A_68 : memref<512x64xf32, #tpu.memory_space<hbm>>) target_semaphore(%run_scoped3A : memref<!tpu.dma_semaphore, #tpu.memory_space<semaphore_mem>>)
      %dma_wait3A_69 = arith.constant 0 : i32
      %dma_wait3A_70 = tpu.memref_slice %arg9[%add3A_20, %dma_wait3A_69] : memref<81920x64xf32, #tpu.memory_space<hbm>> -> memref<512x64xf32, #tpu.memory_space<hbm>>
      %dma_wait3A_71 = arith.constant 0 : i32
      %dma_wait3A_72 = tpu.memref_slice %arg9[%add3A_20, %dma_wait3A_71] : memref<81920x64xf32, #tpu.memory_space<hbm>> -> memref<512x64xf32, #tpu.memory_space<hbm>>
      tpu.wait_dma2 semaphore(%run_scoped3A : memref<!tpu.dma_semaphore, #tpu.memory_space<semaphore_mem>>) src(%arg17 : memref<512x64xf32, #tpu.memory_space<vmem>>) dst(%dma_wait3A_72 : memref<512x64xf32, #tpu.memory_space<hbm>>)
      tpu.yield
    }) : () -> ()
    %dma_start3A_53 = arith.constant 0 : i32
    %dma_start3A_54 = arith.constant 0 : i32
    %dma_start3A_55 = tpu.memref_slice %arg6[%dma_start3A_53, %dma_start3A_54] : memref<1000000x64xf32, #tpu.memory_space<hbm>> -> memref<1000000x64xf32, #tpu.memory_space<hbm>>
    tpu.enqueue_indirect_dma source(%dma_start3A_55 : memref<1000000x64xf32, #tpu.memory_space<hbm>>) target(%arg17 : memref<512x64xf32, #tpu.memory_space<vmem>>) offsets(%arg15 : memref<512xi32, #tpu.memory_space<vmem>>) semaphore(%arg18 : memref<!tpu.dma_semaphore, #tpu.memory_space<semaphore_mem>>)
    %dma_wait3A_56 = arith.constant 0 : i32
    %dma_wait3A_57 = arith.constant 0 : i32
    %dma_wait3A_58 = tpu.memref_slice %arg6[%dma_wait3A_56, %dma_wait3A_57] : memref<1000000x64xf32, #tpu.memory_space<hbm>> -> memref<1000000x64xf32, #tpu.memory_space<hbm>>
    tpu.wait_indirect_dma semaphore(%arg18 : memref<!tpu.dma_semaphore, #tpu.memory_space<semaphore_mem>>) src(%dma_wait3A_58 : memref<1000000x64xf32, #tpu.memory_space<hbm>>) dst(%arg17 : memref<512x64xf32, #tpu.memory_space<vmem>>)
    "tpu.region"() ({
      %run_scoped3A = tpu.sem_alloc : memref<!tpu.dma_semaphore, #tpu.memory_space<semaphore_mem>>
      %dma_start3A_65 = arith.constant 0 : i32
      %dma_start3A_66 = tpu.memref_slice %arg9[%add3A_22, %dma_start3A_65] : memref<81920x64xf32, #tpu.memory_space<hbm>> -> memref<512x64xf32, #tpu.memory_space<hbm>>
      %dma_start3A_67 = arith.constant 0 : i32
      %dma_start3A_68 = tpu.memref_slice %arg9[%add3A_22, %dma_start3A_67] : memref<81920x64xf32, #tpu.memory_space<hbm>> -> memref<512x64xf32, #tpu.memory_space<hbm>>
      tpu.enqueue_dma source(%arg17 : memref<512x64xf32, #tpu.memory_space<vmem>>) target(%dma_start3A_68 : memref<512x64xf32, #tpu.memory_space<hbm>>) target_semaphore(%run_scoped3A : memref<!tpu.dma_semaphore, #tpu.memory_space<semaphore_mem>>)
      %dma_wait3A_69 = arith.constant 0 : i32
      %dma_wait3A_70 = tpu.memref_slice %arg9[%add3A_22, %dma_wait3A_69] : memref<81920x64xf32, #tpu.memory_space<hbm>> -> memref<512x64xf32, #tpu.memory_space<hbm>>
      %dma_wait3A_71 = arith.constant 0 : i32
      %dma_wait3A_72 = tpu.memref_slice %arg9[%add3A_22, %dma_wait3A_71] : memref<81920x64xf32, #tpu.memory_space<hbm>> -> memref<512x64xf32, #tpu.memory_space<hbm>>
      tpu.wait_dma2 semaphore(%run_scoped3A : memref<!tpu.dma_semaphore, #tpu.memory_space<semaphore_mem>>) src(%arg17 : memref<512x64xf32, #tpu.memory_space<vmem>>) dst(%dma_wait3A_72 : memref<512x64xf32, #tpu.memory_space<hbm>>)
      tpu.yield
    }) : () -> ()
    %dma_start3A_59 = arith.constant 0 : i32
    %dma_start3A_60 = arith.constant 0 : i32
    %dma_start3A_61 = tpu.memref_slice %arg6[%dma_start3A_59, %dma_start3A_60] : memref<1000000x64xf32, #tpu.memory_space<hbm>> -> memref<1000000x64xf32, #tpu.memory_space<hbm>>
    tpu.enqueue_indirect_dma source(%dma_start3A_61 : memref<1000000x64xf32, #tpu.memory_space<hbm>>) target(%arg17 : memref<512x64xf32, #tpu.memory_space<vmem>>) offsets(%arg16 : memref<512xi32, #tpu.memory_space<vmem>>) semaphore(%arg18 : memref<!tpu.dma_semaphore, #tpu.memory_space<semaphore_mem>>)
    %dma_wait3A_62 = arith.constant 0 : i32
    %dma_wait3A_63 = arith.constant 0 : i32
    %dma_wait3A_64 = tpu.memref_slice %arg6[%dma_wait3A_62, %dma_wait3A_63] : memref<1000000x64xf32, #tpu.memory_space<hbm>> -> memref<1000000x64xf32, #tpu.memory_space<hbm>>
    tpu.wait_indirect_dma semaphore(%arg18 : memref<!tpu.dma_semaphore, #tpu.memory_space<semaphore_mem>>) src(%dma_wait3A_64 : memref<1000000x64xf32, #tpu.memory_space<hbm>>) dst(%arg17 : memref<512x64xf32, #tpu.memory_space<vmem>>)
    "tpu.region"() ({
      %run_scoped3A = tpu.sem_alloc : memref<!tpu.dma_semaphore, #tpu.memory_space<semaphore_mem>>
      %dma_start3A_65 = arith.constant 0 : i32
      %dma_start3A_66 = tpu.memref_slice %arg9[%add3A_24, %dma_start3A_65] : memref<81920x64xf32, #tpu.memory_space<hbm>> -> memref<512x64xf32, #tpu.memory_space<hbm>>
      %dma_start3A_67 = arith.constant 0 : i32
      %dma_start3A_68 = tpu.memref_slice %arg9[%add3A_24, %dma_start3A_67] : memref<81920x64xf32, #tpu.memory_space<hbm>> -> memref<512x64xf32, #tpu.memory_space<hbm>>
      tpu.enqueue_dma source(%arg17 : memref<512x64xf32, #tpu.memory_space<vmem>>) target(%dma_start3A_68 : memref<512x64xf32, #tpu.memory_space<hbm>>) target_semaphore(%run_scoped3A : memref<!tpu.dma_semaphore, #tpu.memory_space<semaphore_mem>>)
      %dma_wait3A_69 = arith.constant 0 : i32
      %dma_wait3A_70 = tpu.memref_slice %arg9[%add3A_24, %dma_wait3A_69] : memref<81920x64xf32, #tpu.memory_space<hbm>> -> memref<512x64xf32, #tpu.memory_space<hbm>>
      %dma_wait3A_71 = arith.constant 0 : i32
      %dma_wait3A_72 = tpu.memref_slice %arg9[%add3A_24, %dma_wait3A_71] : memref<81920x64xf32, #tpu.memory_space<hbm>> -> memref<512x64xf32, #tpu.memory_space<hbm>>
      tpu.wait_dma2 semaphore(%run_scoped3A : memref<!tpu.dma_semaphore, #tpu.memory_space<semaphore_mem>>) src(%arg17 : memref<512x64xf32, #tpu.memory_space<vmem>>) dst(%dma_wait3A_72 : memref<512x64xf32, #tpu.memory_space<hbm>>)
      tpu.yield
    }) : () -> ()
    return
  }
}

</mosaic_0001>

<sc_bundles>
// kernel: kernel.3.cloned.1.call-start
scs
__scs_entry_jumppad:
0x0: {  	(pc) =	sbr.rel $0x88, $3  }
0x1: {  	(tag) =	ssettag $0x0;
	lr =	simm.s32 $0x1  }
0x2: {  	[smem:$0x3F9C] =	sst lr;
	_ =	strace $0xD0000000  }
0x3: {  	_ = 	snop  }
0x4: {  	_ = 	snop  }
0x5: {  	_ = 	snop  }
0x6: {  	_ = 	snop  }
0x7: {  	_ = 	snop  }
__scs_overlays_trampoline_lowered:
0x8: {  	[smem:$0x3FAB] =	sst s0  }
0x9: {  	[smem:$0x3FAC] =	sst s1  }
0xa: {  	[smem:$0x3FAD] =	sst s2  }
0xb: {  	[smem:$0x3FAE] =	sst s3  }
0xc: {  	[smem:$0x3FAF] =	sst s4  }
0xd: {  	[smem:$0x3FB0] =	sst s5  }
0xe: {  	[smem:$0x3FB1] =	sst s6  }
0xf: {  	[smem:$0x3FB2] =	sst s7  }
0x10: {  	[smem:$0x3FB3] =	sst s8  }
0x11: {  	[smem:$0x3FB4] =	sst s9;
	s0 =	simm.s32 @!p0 $0x0  }
0x12: {  	s1 =	sld [smem:$0x3F9A];
	s0 =	simm.s32 @p0 $0x1  }
0x13: {  	[smem:$0x3FB5] =	sst s0;
	s0 =	simm.s32 @!p1 $0x0  }
0x14: {  	s2 =	sld [smem:$0x3F99];
	s0 =	simm.s32 @p1 $0x1  }
0x15: {  	[smem:$0x3FB6] =	sst s0;
	s0 =	simm.s32 @!p2 $0x0  }
0x16: {  	s3 =	sld [smem:$0x3FDB];
	s0 =	simm.s32 @p2 $0x1  }
0x17: {  	s4 =	simm.s32 $0x1BF5;
	[smem:$0x3FB8] =	sst s0  }
0x18: {  	s0 =	sld [smem:$0x3F9B];
	_ =	swait.ge [sflag:s4], $0x0  }
0x19: {  	s7 =	sld [smem:$0x3F9C]  }
0x1a: {  	s8 =	sadd.s32 $0xFFFFE003, lr  }
0x1b: {  	s9 =	sadd.s32 $0xFFFFFEF7, lr;
	s5 =	simm.s32 $0xFFFFFFFF;
	p2 =	slt.u32 s8, $0xFFFFF086  }
0x1c: {  	p1 =	slt.u32 s9, $0xF7A;
	s5 =	simm.s32 @!p2 $0x0  }
0x1d: {  	s5 =	simm.s32 @p1 $0x1;
	p0 =	seq.s32 s7, s2  }
0x1e: {  	s7 =	smul.u32 @!p0 $0xF7A, s2;
	p2 =	seq.s32 @!p0 s5, $0x0  }
0x1f: {  	s9 =	smul.u32 $0xF7A, s1;
	s8 =	simm.s32 @!p0 $0x1BF5;
	p2 =	por !p2, p0  }
0x20: {  	[sflag:s8] =	ssyncset.s32 @!p0 $0xFFFFF086;
	s6 =	sadd.s32 @!p0 s3, s7;
	s7 =	simm.s32 @!p0 $0x108  }
0x21: {  	s3 =	sadd.s32 s3, s9;
	s6 =	sadd.s32 @!p0 $0x88, s6;
	s7 =	simm.s32 @p2 $0x1082  }
0x22: {  	[simem:s7], [sflag:s8] =	dma.local @!p0 [hbm:s6], $0xF7A  }
0x23: {  	s9 =	sor.u32 $0xD0000000, s2;
	s6 =	simm.s32 $0x108;
	_ =	swait.ge @!p0 [sflag:s8], $0x0  }
0x24: {  	s3 =	sadd.s32 $0x88, s3;
	s6 =	simm.s32 @!p1 $0x1082;
	[sflag:s4] =	ssyncset.s32 $0xFFFFF086  }
0x25: {  	[simem:s6], [sflag:s4] =	dma.local [hbm:s3], $0xF7A  }
0x26: {  	[smem:$0x3F9C] =	sst s1;
	(tag) =	ssettag s2;
	_ =	strace s9  }
0x27: {  	s1 =	sld [smem:$0x3FAC]  }
0x28: {  	s2 =	sld [smem:$0x3FAD]  }
0x29: {  	s4 =	sld [smem:$0x3FAF]  }
0x2a: {  	p0 =	seq.s32 s5, $0x0;
	s5 =	sld [smem:$0x3FB0]  }
0x2b: {  	s6 =	sld [smem:$0x3FB1]  }
0x2c: {  	s7 =	sld [smem:$0x3FB2]  }
0x2d: {  	s3 =	simm.s32 $0x108;
	s8 =	sld [smem:$0x3FB3]  }
0x2e: {  	s3 =	simm.s32 @!p0 $0x1082;
	s9 =	sld [smem:$0x3FB4]  }
0x2f: {  	lr =	sadd.s32 s0, s3;
	s0 =	sld [smem:$0x3FAB]  }
0x30: {  	s3 =	sld [smem:$0x3FAE]  }
0x31: {  	[smem:$0x3FB7] =	sst s10  }
0x32: {  	s10 =	sld [smem:$0x3FB5];
	_ =	sdelay $0x3  }
0x33: {  	p0 =	seq.s32 s10, $0x1;
	s10 =	sld [smem:$0x3FB7];
	_ =	sdelay $0x3  }
0x34: {  	[smem:$0x3FB7] =	sst s10  }
0x35: {  	s10 =	sld [smem:$0x3FB6];
	_ =	sdelay $0x3  }
0x36: {  	p1 =	seq.s32 s10, $0x1;
	s10 =	sld [smem:$0x3FB7];
	_ =	sdelay $0x3  }
0x37: {  	[smem:$0x3FB7] =	sst s10  }
0x38: {  	s10 =	sld [smem:$0x3FB8]  }
0x39: {  	_ = 	snop;
	(pc) =	sbr.ind lr, $3  }
0x3a: {  	_ = 	snop  }
0x3b: {  	_ = 	snop  }
0x3c: {  	p2 =	seq.s32 s10, $0x1;
	s10 =	sld [smem:$0x3FB7]  }
0x3d: {  	_ =	shalt  }
0x3e: {  	_ =	shalt  }
0x3f: {  	_ =	shalt  }
0x40: {  	_ =	shalt  }
0x41: {  	_ =	shalt  }
0x42: {  	_ =	shalt  }
0x43: {  	_ =	shalt  }
0x44: {  	_ =	shalt  }
0x45: {  	_ =	shalt  }
0x46: {  	_ =	shalt  }
0x47: {  	_ =	shalt  }
0x48: {  	_ =	shalt  }
0x49: {  	_ =	shalt  }
0x4a: {  	_ =	shalt  }
0x4b: {  	_ =	shalt  }
0x4c: {  	_ =	shalt  }
0x4d: {  	_ =	shalt  }
0x4e: {  	_ =	shalt  }
0x4f: {  	_ =	shalt  }
0x50: {  	_ =	shalt  }
0x51: {  	_ =	shalt  }
0x52: {  	_ =	shalt  }
0x53: {  	_ =	shalt  }
0x54: {  	_ =	shalt  }
0x55: {  	_ =	shalt  }
0x56: {  	_ =	shalt  }
0x57: {  	_ =	shalt  }
0x58: {  	_ =	shalt  }
0x59: {  	_ =	shalt  }
0x5a: {  	_ =	shalt  }
0x5b: {  	_ =	shalt  }
0x5c: {  	_ =	shalt  }
0x5d: {  	_ =	shalt  }
0x5e: {  	_ =	shalt  }
0x5f: {  	_ =	shalt  }
0x60: {  	_ =	shalt  }
0x61: {  	_ =	shalt  }
0x62: {  	_ =	shalt  }
0x63: {  	_ =	shalt  }
0x64: {  	_ =	shalt  }
0x65: {  	_ =	shalt  }
0x66: {  	_ =	shalt  }
0x67: {  	_ =	shalt  }
0x68: {  	_ =	shalt  }
0x69: {  	_ =	shalt  }
0x6a: {  	_ =	shalt  }
0x6b: {  	_ =	shalt  }
0x6c: {  	_ =	shalt  }
0x6d: {  	_ =	shalt  }
0x6e: {  	_ =	shalt  }
0x6f: {  	_ =	shalt  }
0x70: {  	_ =	shalt  }
0x71: {  	_ =	shalt  }
0x72: {  	_ =	shalt  }
0x73: {  	_ =	shalt  }
0x74: {  	_ =	shalt  }
0x75: {  	_ =	shalt  }
0x76: {  	_ =	shalt  }
0x77: {  	_ =	shalt  }
0x78: {  	_ =	shalt  }
0x79: {  	_ =	shalt  }
0x7a: {  	_ =	shalt  }
0x7b: {  	_ =	shalt  }
0x7c: {  	_ =	shalt  }
0x7d: {  	_ =	shalt  }
0x7e: {  	_ =	shalt  }
0x7f: {  	_ =	shalt  }
0x80: {  	_ =	shalt  }
0x81: {  	_ =	shalt  }
0x82: {  	_ =	shalt  }
0x83: {  	_ =	shalt  }
0x84: {  	_ =	shalt  }
0x85: {  	_ =	shalt  }
0x86: {  	_ =	shalt  }
0x87: {  	_ =	shalt  }
.Lfunc_end0:
.L_simem_size_0:
called_computation_lowered:
.L_overlay_start_0:
0x88: {  	s2 =	sld [smem:$0x3FD9]  }
0x89: {  	s3 =	sld [smem:$0x3FFE];
	_ =	sdelay $0x1  }
0x8a: {  	s1 =	srdreg.scid  }
0x8b: {  	s0 =	sand.u32 $0x1, s1  }
0x8c: {  	s14 =	sshll.u32 s0, $0xA;
	s2 =	sadd.s32 s3, s2  }
0x8d: {  	s2 =	sadd.s32 s2, s14  }
0x8e: {  	[smem:$0x3FC3] =	sst s2  }
0x8f: {  	_ = 	snop  }
0x90: {  	s2 =	sld [smem:$0x3FD0]  }
0x91: {  	s15 =	sld [smem:$0x3FC9]  }
0x92: {  	s4 =	sld [smem:$0x3FC8]  }
0x93: {  	s6 =	simm.s32 $0xA;
	s7 =	simm.s32 $0x10;
	s5 =	sld [smem:$0x3FC7]  }
0x94: {  	[smem:s7], [sflag:s6] =	dma.local [hbm:s2], $0x1  }
0x95: {  	_ =	swait.eq [sflag:s6], $0x1  }
0x96: {  	s16 =	sld [smem:$0x10];
	[sflag:s6] =	ssyncset.done $0x0  }
0x97: {  	s17 =	sld [smem:$0x11];
	[sflag:s6] =	ssyncadd.s32 $0xFFFFFFFF  }
0x98: {  	s18 =	sld [smem:$0x12];
	(tm) =	ssettm $0x1  }
0x99: {  	s8 =	sld [smem:$0x3FFB];
	_ =	sdelay $0x3  }
0x9a: {  	_ =	strace s8  }
0x9b: {  	s8 =	sld [smem:$0x3FFC];
	_ =	sdelay $0x3  }
0x9c: {  	_ =	strace s8  }
0x9d: {  	s8 =	sld [smem:$0x3FFD];
	_ =	sdelay $0x3  }
0x9e: {  	_ =	strace s8  }
0x9f: {  	_ =	strace $0x8FFFFFFF  }
0xa0: {  	s19 =	sld [smem:$0x3FDB];
	_ =	sdelay $0x1  }
0xa1: {  	s9 =	simm.s32 $_scs_section_size  }
0xa2: {  	s10 =	simm.s32 $_size__tile_overlayer_lowered;
	s11 =	simm.s32 $_tile_overlayer_lowered  }
0xa3: {  	s22 =	simm.s32 $0x1BFF;
	s21 =	sshll.u32 s11, $0x1;
	s8 =	sadd.s32 s9, s19  }
0xa4: {  	s12 =	simm.s32 $0x0;
	s20 =	sshll.u32 s10, $0x1;
	s10 =	sadd.s32 s21, s8  }
0xa5: {  	[timem:s12], [sflag:s22] =	dma.local [hbm:s10], s20  }
0xa6: {  	_ =	swait.ge [sflag:s22], s20  }
0xa7: {  	s9 =	ssub.s32 $0x0, s20;
	[sflag:s22] =	ssyncset.done $0x0  }
0xa8: {  	[sflag:s22] =	ssyncadd.s32 s9;
	_ =	sdelay $0x1  }
0xa9: {  	s23 =	simm.s32 $0x1B8B  }
0xaa: {  	_ =	swait.ge [sflag:s23], $0x1  }
0xab: {  	[sflag:s23] =	ssyncset.done $0x0  }
0xac: {  	s25 =	simm.s32 $0x1B8E;
	s24 =	sld [smem:$0x3FFE];
	[sflag:s23] =	ssyncadd.s32 $0xFFFFFFFF  }
0xad: {  	s26 =	simm.s32 $execute0_lowered;
	[smem:$0x3FD2] =	sst s25  }
0xae: {  	s10 =	sshll.u32 s26, $0x1;
	_ =	strace $0x80000046;
	[dreg:$0x1] =	wrdreg $0xFFFFFFFF  }
0xaf: {  	s28 =	simm.s32 $_size_execute0_lowered;
	s8 =	sadd.s32 s8, s10;
	[dreg:$0x0] =	wrdreg $0x0  }
0xb0: {  	s10 =	sshll.u32 s28, $0x1;
	[dreg:$0x2] =	wrdreg s8  }
0xb1: {  	[dreg:$0x3] =	wrdreg s10  }
0xb2: {  	[dreg:$0x4] =	wrdreg $0xC0  }
0xb3: {  	_ =	task [dreg:s12], $0x5FFFF  }
0xb4: {  	[dreg:$0x1] =	wrdreg $0xFFFFFFFF  }
0xb5: {  	[dreg:$0x0] =	wrdreg $0x60  }
0xb6: {  	[dreg:$0x2] =	wrdreg s15  }
0xb7: {  	[dreg:$0x3] =	wrdreg s4  }
0xb8: {  	[dreg:$0x4] =	wrdreg s5  }
0xb9: {  	[dreg:$0x5] =	wrdreg s24  }
0xba: {  	[dreg:$0x6] =	wrdreg s16  }
0xbb: {  	[dreg:$0x7] =	wrdreg s17  }
0xbc: {  	[dreg:$0x8] =	wrdreg s18  }
0xbd: {  	[dreg:$0x9] =	wrdreg $0x9  }
0xbe: {  	_ =	task.clear_ibuf [dreg:s12], $0xAFFFF;
	_ =	strace $0x90000046  }
0xbf: {  	s29 =	simm.s32 $0x9;
	_ =	strace $0x80000048  }
0xc0: {  	_ =	swait.ge [sflag:s29], $0x1  }
0xc1: {  	[sflag:s29] =	ssyncadd.s32 $0xFFFFFFFF  }
0xc2: {  	_ =	strace $0x90000048  }
0xc3: {  	_ =	sfence  }
0xc4: {  	s30 =	sld [smem:$0x0];
	_ =	sdelay $0x2  }
0xc5: {  	s31 =	sshll.u32 s1, $0xD;
	s1 =	sshrl.u32 s1, $0x2  }
0xc6: {  	s3 =	sand.u32 $0x4000, s31;
	s1 =	sadd.s32 s1, s30  }
0xc7: {  	s0 =	sor.u32 s3, s0;
	s1 =	sshll.u32 s1, $0x11  }
0xc8: {  	s0 =	sor.u32 s1, s0  }
0xc9: {  	s0 =	sadd.s32 $0x8F2B, s0  }
0xca: {  	[sflag:s0] =	ssyncadd.remote.s32 $0x1  }
0xcb: {  	_ =	sfence.sel $0xFFFF  }
0xcc: {  	[dreg:$0x0] =	wrdreg $0xFFFFFFFF;
	(pc) =	sbr.abs _section_cstart, $3  }
0xcd: {  	[dreg:$0x1] =	wrdreg $0xFFFFFFFF  }
0xce: {  	_ =	task.clear_ibuf [dreg:s12], $0x2FFFF;
	_ =	strace $0x9FFFFFFF  }
0xcf: {  	(tm) =	ssettm $0x7FFFFFFF  }
tec
execute0_lowered:
.L_overlay_start_1:
0x0: {  	(tag) =	ssettag $0x1  }
0x1: {  	s3 =	rddreg [dreg:$0x0]  }
0x2: {  	s5 =	rddreg [dreg:$0x1]  }
0x3: {  	s15 =	rddreg [dreg:$0x2]  }
0x4: {  	s21 =	rddreg [dreg:$0x3]  }
0x5: {  	s20 =	rddreg [dreg:$0x4]  }
0x6: {  	s22 =	rddreg [dreg:$0x5]  }
0x7: {  	s1 =	srdreg.scid;
	s0 =	stileid.u32  }
0x8: {  	s28 =	rddreg [dreg:$0x6];
	s29 =	sand.u32 $0x1, s1;
	s4 =	sshll.u32 s0, $0x1  }
0x9: {  	s2 =	simm.s32 $0x0;
	s1 =	rddreg [dreg:$0x7];
	s23 =	sor.u32 s29, s4  }
0xa: {  	[smem:$0x7FF] =	sst s2;
	s6 =	sshll.u32 s23, $0x6  }
0xb: {  	_ =	strace $0x80000047;
	s4 =	sadd.s32 s3, s6;
	s3 =	simm.s32 $0x2  }
0xc: {  	[tilespmem:s2], [sflag:$0x2] =	stream.linear.gather [hbm4b:s4+s2], $0x200, $0x38;
	[tilespmem:$0x8E00] =	vst v63  }
0xd: {  	_ =	swait.ge [sflag:s3], $0x200  }
0xe: {  	s16 =	smul.u32 $0xA00, s23;
	[sflag:s3] =	ssyncset.done $0x0  }
0xf: {  	s5 =	sadd.s32 s5, s6;
	s6 =	simm.s32 $0x200;
	[sflag:s3] =	ssyncadd.s32 $0xFFFFFE00  }
0x10: {  	[tilespmem:s6], [sflag:$0x2] =	stream.linear.gather [hbm4b:s5+s2], $0x200, $0x38;
	[tilespmem:$0x8E00] =	vst v63  }
0x11: {  	_ =	swait.ge [sflag:s3], $0x200  }
0x12: {  	s7 =	sshrl.u32 s16, $0x3;
	[sflag:s3] =	ssyncset.done $0x0  }
0x13: {  	s8 =	simm.s32 $0x400;
	s7 =	sadd.s32 s15, s7;
	[sflag:s3] =	ssyncadd.s32 $0xFFFFFE00  }
0x14: {  	[tilespmem:s8], [sflag:$0x2] =	stream.linear.gather [hbm4b:s7+s2], $0x200, $0x38;
	[tilespmem:$0x8E00] =	vst v63  }
0x15: {  	s24 =	sadd.s32 $0x200, s16;
	_ =	swait.ge [sflag:s3], $0x200  }
0x16: {  	s9 =	sshrl.u32 s24, $0x3;
	[sflag:s3] =	ssyncset.done $0x0  }
0x17: {  	s10 =	simm.s32 $0x600;
	s9 =	sadd.s32 s15, s9;
	[sflag:s3] =	ssyncadd.s32 $0xFFFFFE00  }
0x18: {  	[tilespmem:s10], [sflag:$0x2] =	stream.linear.gather [hbm4b:s9+s2], $0x200, $0x38;
	[tilespmem:$0x8E00] =	vst v63  }
0x19: {  	s25 =	sadd.s32 $0x400, s16;
	_ =	swait.ge [sflag:s3], $0x200  }
0x1a: {  	s11 =	sshrl.u32 s25, $0x3;
	[sflag:s3] =	ssyncset.done $0x0  }
0x1b: {  	s12 =	simm.s32 $0x800;
	s11 =	sadd.s32 s15, s11;
	[sflag:s3] =	ssyncadd.s32 $0xFFFFFE00  }
0x1c: {  	[tilespmem:s12], [sflag:$0x2] =	stream.linear.gather [hbm4b:s11+s2], $0x200, $0x38;
	[tilespmem:$0x8E00] =	vst v63  }
0x1d: {  	s26 =	sadd.s32 $0x600, s16;
	_ =	swait.ge [sflag:s3], $0x200  }
0x1e: {  	s13 =	sshrl.u32 s26, $0x3;
	[sflag:s3] =	ssyncset.done $0x0  }
0x1f: {  	s14 =	simm.s32 $0xA00;
	s13 =	sadd.s32 s15, s13;
	[sflag:s3] =	ssyncadd.s32 $0xFFFFFE00  }
0x20: {  	[tilespmem:s14], [sflag:$0x2] =	stream.linear.gather [hbm4b:s13+s2], $0x200, $0x38;
	[tilespmem:$0x8E00] =	vst v63  }
0x21: {  	s30 =	sadd.s32 $0x800, s16;
	_ =	swait.ge [sflag:s3], $0x200  }
0x22: {  	s16 =	sshrl.u32 s30, $0x3;
	[sflag:s3] =	ssyncset.done $0x0  }
0x23: {  	s15 =	sadd.s32 s15, s16;
	s16 =	simm.s32 $0xC00;
	[sflag:s3] =	ssyncadd.s32 $0xFFFFFE00  }
0x24: {  	[tilespmem:s16], [sflag:$0x2] =	stream.linear.gather [hbm4b:s15+s2], $0x200, $0x38;
	[tilespmem:$0x8E00] =	vst v63  }
0x25: {  	_ =	swait.ge [sflag:s3], $0x200  }
0x26: {  	s18 =	simm.s32 $0xE00;
	[sflag:s3] =	ssyncset.done $0x0  }
0x27: {  	s19 =	simm.s32 $0x1;
	s17 =	sadd.s32 $0xF42E00, s21;
	[sflag:s3] =	ssyncadd.s32 $0xFFFFFE00  }
0x28: {  	[tilespmem:s18], [sflag:$0x1] =	stream.indirect.gather [hbm4b:s17+s6], $0x40, s2, s6, $0xb8;
	[tilespmem:$0x8E00] =	vst v63  }
0x29: {  	_ =	swait.ge [sflag:s19], $0x8000  }
0x2a: {  	s31 =	sshll.u32 s23, $0xC;
	[sflag:s19] =	ssyncset.done $0x0  }
0x2b: {  	s20 =	sadd.s32 s20, s31;
	[sflag:s19] =	ssyncadd.s32 $0xFFFF8000  }
0x2c: {  	[hbm4b:s20+s2] =	stream.linear.scatter [tilespmem:s18], [sflag:$0x2], $0x8000, $0x38;
	[tilespmem:$0x8E00] =	vst v63  }
0x2d: {  	_ =	swait.ge [sflag:s3], $0x8000  }
0x2e: {  	[sflag:s3] =	ssyncset.done $0x0  }
0x2f: {  	s21 =	sadd.s32 $0x16E4000, s21;
	[sflag:s3] =	ssyncadd.s32 $0xFFFF8000  }
0x30: {  	[tilespmem:s18], [sflag:$0x1] =	stream.indirect.gather [hbm4b:s21+s6], $0x40, s6, s6, $0xb8;
	[tilespmem:$0x8E00] =	vst v63  }
0x31: {  	_ =	swait.ge [sflag:s19], $0x8000  }
0x32: {  	[sflag:s19] =	ssyncset.done $0x0  }
0x33: {  	s22 =	sadd.s32 s22, s31;
	[sflag:s19] =	ssyncadd.s32 $0xFFFF8000  }
0x34: {  	[hbm4b:s22+s2] =	stream.linear.scatter [tilespmem:s18], [sflag:$0x2], $0x8000, $0x38;
	[tilespmem:$0x8E00] =	vst v63  }
0x35: {  	_ =	swait.ge [sflag:s3], $0x8000  }
0x36: {  	[sflag:s3] =	ssyncset.done $0x0  }
0x37: {  	[sflag:s3] =	ssyncadd.s32 $0xFFFF8000  }
0x38: {  	[tilespmem:s18], [sflag:$0x1] =	stream.indirect.gather [hbm4b:s21+s6], $0x40, s8, s6, $0xb8;
	[tilespmem:$0x8E00] =	vst v63  }
0x39: {  	s23 =	smul.u32 $0x5000, s23;
	_ =	swait.ge [sflag:s19], $0x8000  }
0x3a: {  	[sflag:s19] =	ssyncset.done $0x0  }
0x3b: {  	s23 =	sadd.s32 s28, s23;
	[sflag:s19] =	ssyncadd.s32 $0xFFFF8000  }
0x3c: {  	[hbm4b:s23+s2] =	stream.linear.scatter [tilespmem:s18], [sflag:$0x2], $0x8000, $0x38;
	[tilespmem:$0x8E00] =	vst v63  }
0x3d: {  	_ =	swait.ge [sflag:s3], $0x8000  }
0x3e: {  	[sflag:s3] =	ssyncset.done $0x0  }
0x3f: {  	[sflag:s3] =	ssyncadd.s32 $0xFFFF8000  }
0x40: {  	[tilespmem:s18], [sflag:$0x1] =	stream.indirect.gather [hbm4b:s21+s6], $0x40, s10, s6, $0xb8;
	[tilespmem:$0x8E00] =	vst v63  }
0x41: {  	_ =	swait.ge [sflag:s19], $0x8000  }
0x42: {  	s24 =	sshll.u32 s24, $0x3;
	[sflag:s19] =	ssyncset.done $0x0  }
0x43: {  	s24 =	sadd.s32 s28, s24;
	[sflag:s19] =	ssyncadd.s32 $0xFFFF8000  }
0x44: {  	[hbm4b:s24+s2] =	stream.linear.scatter [tilespmem:s18], [sflag:$0x2], $0x8000, $0x38;
	[tilespmem:$0x8E00] =	vst v63  }
0x45: {  	_ =	swait.ge [sflag:s3], $0x8000  }
0x46: {  	[sflag:s3] =	ssyncset.done $0x0  }
0x47: {  	[sflag:s3] =	ssyncadd.s32 $0xFFFF8000  }
0x48: {  	[tilespmem:s18], [sflag:$0x1] =	stream.indirect.gather [hbm4b:s21+s6], $0x40, s12, s6, $0xb8;
	[tilespmem:$0x8E00] =	vst v63  }
0x49: {  	_ =	swait.ge [sflag:s19], $0x8000  }
0x4a: {  	s25 =	sshll.u32 s25, $0x3;
	[sflag:s19] =	ssyncset.done $0x0  }
0x4b: {  	s25 =	sadd.s32 s28, s25;
	[sflag:s19] =	ssyncadd.s32 $0xFFFF8000  }
0x4c: {  	[hbm4b:s25+s2] =	stream.linear.scatter [tilespmem:s18], [sflag:$0x2], $0x8000, $0x38;
	[tilespmem:$0x8E00] =	vst v63  }
0x4d: {  	_ =	swait.ge [sflag:s3], $0x8000  }
0x4e: {  	[sflag:s3] =	ssyncset.done $0x0  }
0x4f: {  	[sflag:s3] =	ssyncadd.s32 $0xFFFF8000  }
0x50: {  	[tilespmem:s18], [sflag:$0x1] =	stream.indirect.gather [hbm4b:s21+s6], $0x40, s14, s6, $0xb8;
	[tilespmem:$0x8E00] =	vst v63  }
0x51: {  	_ =	swait.ge [sflag:s19], $0x8000  }
0x52: {  	s26 =	sshll.u32 s26, $0x3;
	[sflag:s19] =	ssyncset.done $0x0  }
0x53: {  	s29 =	ssub.s32 $0x2, s29;
	s26 =	sadd.s32 s28, s26;
	[sflag:s19] =	ssyncadd.s32 $0xFFFF8000  }
0x54: {  	[hbm4b:s26+s2] =	stream.linear.scatter [tilespmem:s18], [sflag:$0x2], $0x8000, $0x38;
	[tilespmem:$0x8E00] =	vst v63  }
0x55: {  	s31 =	sshrl.u32 s29, $0x1;
	_ =	swait.ge [sflag:s3], $0x8000  }
0x56: {  	s29 =	ssub.s32 s29, s31;
	[sflag:s3] =	ssyncset.done $0x0  }
0x57: {  	s29 =	smax.u32 s29, $0x1;
	[sflag:s3] =	ssyncadd.s32 $0xFFFF8000  }
0x58: {  	[tilespmem:s18], [sflag:$0x1] =	stream.indirect.gather [hbm4b:s21+s6], $0x40, s16, s6, $0xb8;
	[tilespmem:$0x8E00] =	vst v63  }
0x59: {  	p0 =	sne.s32 s29, $0x1;
	_ =	swait.ge [sflag:s19], $0x8000  }
.Ltmp0:
0x5a: {  	s30 =	sshll.u32 s30, $0x3;
	[sflag:s19] =	ssyncset.done $0x0;
	(pc) =	sbr.rel @!p0 .LBB2_2-.Ltmp0, $4  }
0x5b: {  	s28 =	sadd.s32 s28, s30;
	[sflag:s19] =	ssyncadd.s32 $0xFFFF8000  }
0x5c: {  	[hbm4b:s28+s2] =	stream.linear.scatter [tilespmem:s18], [sflag:$0x2], $0x8000, $0x38;
	[tilespmem:$0x8E00] =	vst v63  }
0x5d: {  	_ =	swait.ge [sflag:s3], $0x8000  }
0x5e: {  	s29 =	sadd.s32 $0xFFFFFFFF, s29;
	[sflag:s3] =	ssyncset.done $0x0  }
.LBB2_1:
0x5f: {  	p0 =	sne.s32 s29, $0x1;
	s29 =	sadd.s32 $0xFFFFFFFF, s29;
	[sflag:s3] =	ssyncadd.s32 $0xFFFF8000  }
0x60: {  	[tilespmem:s2], [sflag:$0x2] =	stream.linear.gather [hbm4b:s4+s2], $0x200, $0x38;
	[tilespmem:$0x8E00] =	vst v63  }
0x61: {  	_ =	swait.ge [sflag:s3], $0x200  }
0x62: {  	[sflag:s3] =	ssyncset.done $0x0  }
0x63: {  	[sflag:s3] =	ssyncadd.s32 $0xFFFFFE00  }
0x64: {  	[tilespmem:s6], [sflag:$0x2] =	stream.linear.gather [hbm4b:s5+s2], $0x200, $0x38;
	[tilespmem:$0x8E00] =	vst v63  }
0x65: {  	_ =	swait.ge [sflag:s3], $0x200  }
0x66: {  	[sflag:s3] =	ssyncset.done $0x0  }
0x67: {  	[sflag:s3] =	ssyncadd.s32 $0xFFFFFE00  }
0x68: {  	[tilespmem:s8], [sflag:$0x2] =	stream.linear.gather [hbm4b:s7+s2], $0x200, $0x38;
	[tilespmem:$0x8E00] =	vst v63  }
0x69: {  	_ =	swait.ge [sflag:s3], $0x200  }
0x6a: {  	[sflag:s3] =	ssyncset.done $0x0  }
0x6b: {  	[sflag:s3] =	ssyncadd.s32 $0xFFFFFE00  }
0x6c: {  	[tilespmem:s10], [sflag:$0x2] =	stream.linear.gather [hbm4b:s9+s2], $0x200, $0x38;
	[tilespmem:$0x8E00] =	vst v63  }
0x6d: {  	_ =	swait.ge [sflag:s3], $0x200  }
0x6e: {  	[sflag:s3] =	ssyncset.done $0x0  }
0x6f: {  	[sflag:s3] =	ssyncadd.s32 $0xFFFFFE00  }
0x70: {  	[tilespmem:s12], [sflag:$0x2] =	stream.linear.gather [hbm4b:s11+s2], $0x200, $0x38;
	[tilespmem:$0x8E00] =	vst v63  }
0x71: {  	_ =	swait.ge [sflag:s3], $0x200  }
0x72: {  	[sflag:s3] =	ssyncset.done $0x0  }
0x73: {  	[sflag:s3] =	ssyncadd.s32 $0xFFFFFE00  }
0x74: {  	[tilespmem:s14], [sflag:$0x2] =	stream.linear.gather [hbm4b:s13+s2], $0x200, $0x38;
	[tilespmem:$0x8E00] =	vst v63  }
0x75: {  	_ =	swait.ge [sflag:s3], $0x200  }
0x76: {  	[sflag:s3] =	ssyncset.done $0x0  }
0x77: {  	[sflag:s3] =	ssyncadd.s32 $0xFFFFFE00  }
0x78: {  	[tilespmem:s16], [sflag:$0x2] =	stream.linear.gather [hbm4b:s15+s2], $0x200, $0x38;
	[tilespmem:$0x8E00] =	vst v63  }
0x79: {  	_ =	swait.ge [sflag:s3], $0x200  }
0x7a: {  	[sflag:s3] =	ssyncset.done $0x0  }
0x7b: {  	[sflag:s3] =	ssyncadd.s32 $0xFFFFFE00  }
0x7c: {  	[tilespmem:s18], [sflag:$0x1] =	stream.indirect.gather [hbm4b:s17+s6], $0x40, s2, s6, $0xb8;
	[tilespmem:$0x8E00] =	vst v63  }
0x7d: {  	_ =	swait.ge [sflag:s19], $0x8000  }
0x7e: {  	[sflag:s19] =	ssyncset.done $0x0  }
0x7f: {  	[sflag:s19] =	ssyncadd.s32 $0xFFFF8000  }
0x80: {  	[hbm4b:s20+s2] =	stream.linear.scatter [tilespmem:s18], [sflag:$0x2], $0x8000, $0x38;
	[tilespmem:$0x8E00] =	vst v63  }
0x81: {  	_ =	swait.ge [sflag:s3], $0x8000  }
0x82: {  	[sflag:s3] =	ssyncset.done $0x0  }
0x83: {  	[sflag:s3] =	ssyncadd.s32 $0xFFFF8000  }
0x84: {  	[tilespmem:s18], [sflag:$0x1] =	stream.indirect.gather [hbm4b:s21+s6], $0x40, s6, s6, $0xb8;
	[tilespmem:$0x8E00] =	vst v63  }
0x85: {  	_ =	swait.ge [sflag:s19], $0x8000  }
0x86: {  	[sflag:s19] =	ssyncset.done $0x0  }
0x87: {  	[sflag:s19] =	ssyncadd.s32 $0xFFFF8000  }
0x88: {  	[hbm4b:s22+s2] =	stream.linear.scatter [tilespmem:s18], [sflag:$0x2], $0x8000, $0x38;
	[tilespmem:$0x8E00] =	vst v63  }
0x89: {  	_ =	swait.ge [sflag:s3], $0x8000  }
0x8a: {  	[sflag:s3] =	ssyncset.done $0x0  }
0x8b: {  	[sflag:s3] =	ssyncadd.s32 $0xFFFF8000  }
0x8c: {  	[tilespmem:s18], [sflag:$0x1] =	stream.indirect.gather [hbm4b:s21+s6], $0x40, s8, s6, $0xb8;
	[tilespmem:$0x8E00] =	vst v63  }
0x8d: {  	_ =	swait.ge [sflag:s19], $0x8000  }
0x8e: {  	[sflag:s19] =	ssyncset.done $0x0  }
0x8f: {  	[sflag:s19] =	ssyncadd.s32 $0xFFFF8000  }
0x90: {  	[hbm4b:s23+s2] =	stream.linear.scatter [tilespmem:s18], [sflag:$0x2], $0x8000, $0x38;
	[tilespmem:$0x8E00] =	vst v63  }
0x91: {  	_ =	swait.ge [sflag:s3], $0x8000  }
0x92: {  	[sflag:s3] =	ssyncset.done $0x0  }
0x93: {  	[sflag:s3] =	ssyncadd.s32 $0xFFFF8000  }
0x94: {  	[tilespmem:s18], [sflag:$0x1] =	stream.indirect.gather [hbm4b:s21+s6], $0x40, s10, s6, $0xb8;
	[tilespmem:$0x8E00] =	vst v63  }
0x95: {  	_ =	swait.ge [sflag:s19], $0x8000  }
0x96: {  	[sflag:s19] =	ssyncset.done $0x0  }
0x97: {  	[sflag:s19] =	ssyncadd.s32 $0xFFFF8000  }
0x98: {  	[hbm4b:s24+s2] =	stream.linear.scatter [tilespmem:s18], [sflag:$0x2], $0x8000, $0x38;
	[tilespmem:$0x8E00] =	vst v63  }
0x99: {  	_ =	swait.ge [sflag:s3], $0x8000  }
0x9a: {  	[sflag:s3] =	ssyncset.done $0x0  }
0x9b: {  	[sflag:s3] =	ssyncadd.s32 $0xFFFF8000  }
0x9c: {  	[tilespmem:s18], [sflag:$0x1] =	stream.indirect.gather [hbm4b:s21+s6], $0x40, s12, s6, $0xb8;
	[tilespmem:$0x8E00] =	vst v63  }
0x9d: {  	_ =	swait.ge [sflag:s19], $0x8000  }
0x9e: {  	[sflag:s19] =	ssyncset.done $0x0  }
0x9f: {  	[sflag:s19] =	ssyncadd.s32 $0xFFFF8000  }
0xa0: {  	[hbm4b:s25+s2] =	stream.linear.scatter [tilespmem:s18], [sflag:$0x2], $0x8000, $0x38;
	[tilespmem:$0x8E00] =	vst v63  }
0xa1: {  	_ =	swait.ge [sflag:s3], $0x8000  }
0xa2: {  	[sflag:s3] =	ssyncset.done $0x0  }
0xa3: {  	[sflag:s3] =	ssyncadd.s32 $0xFFFF8000  }
0xa4: {  	[tilespmem:s18], [sflag:$0x1] =	stream.indirect.gather [hbm4b:s21+s6], $0x40, s14, s6, $0xb8;
	[tilespmem:$0x8E00] =	vst v63  }
0xa5: {  	_ =	swait.ge [sflag:s19], $0x8000  }
0xa6: {  	[sflag:s19] =	ssyncset.done $0x0  }
0xa7: {  	[sflag:s19] =	ssyncadd.s32 $0xFFFF8000  }
0xa8: {  	[hbm4b:s26+s2] =	stream.linear.scatter [tilespmem:s18], [sflag:$0x2], $0x8000, $0x38;
	[tilespmem:$0x8E00] =	vst v63  }
0xa9: {  	_ =	swait.ge [sflag:s3], $0x8000  }
0xaa: {  	[sflag:s3] =	ssyncset.done $0x0  }
0xab: {  	[sflag:s3] =	ssyncadd.s32 $0xFFFF8000  }
0xac: {  	[tilespmem:s18], [sflag:$0x1] =	stream.indirect.gather [hbm4b:s21+s6], $0x40, s16, s6, $0xb8;
	[tilespmem:$0x8E00] =	vst v63  }
0xad: {  	_ =	swait.ge [sflag:s19], $0x8000  }
.Ltmp1:
0xae: {  	[sflag:s19] =	ssyncset.done $0x0;
	(pc) =	sbr.rel @p0 .LBB2_1-.Ltmp1, $4  }
0xaf: {  	[sflag:s19] =	ssyncadd.s32 $0xFFFF8000  }
0xb0: {  	[hbm4b:s28+s2] =	stream.linear.scatter [tilespmem:s18], [sflag:$0x2], $0x8000, $0x38;
	[tilespmem:$0x8E00] =	vst v63  }
0xb1: {  	_ =	swait.ge [sflag:s3], $0x8000  }
0xb2: {  	[sflag:s3] =	ssyncset.done $0x0  }
.LBB2_2:
0xb3: {  	[sflag:s3] =	ssyncadd.s32 $0xFFFF8000  }
0xb4: {  	_ =	sfence.sel $0x180000  }
0xb5: {  	[bflag:$0x0] =	sbarrier.arrive $0xFFFF  }
0xb6: {  	p0 =	sne.s32 s0, $0x0;
	_ =	strace $0x90000047  }
0xb7: {  	s0 =	sadd.s32 @!p0 $0x100000, s1;
	[bflag:$0x2] =	sbarrier.arrive $0xFFFF  }
0xb8: {  	[sflag:s0] =	ssyncadd.tile.s32 @!p0 $0x1;
	_ =	shalt  }
.Lfunc_end2:
_tile_overlayer_lowered:
.L_overlay_start_2:
0xb9: {  	(tag) =	ssettag $0x2  }
0xba: {  	s0 =	rddreg [dreg:$0x0];
	s2 =	stileid.u32  }
0xbb: {  	s1 =	rddreg [dreg:$0x1];
	p0 =	sne.s32 s2, $0x0  }
0xbc: {  	s3 =	rddreg [dreg:$0x2];
	[bflag:$0x3] =	sbarrier.arrive $0xFFFF;
	s2 =	simm.s32 @!p0 $0x1C02  }
0xbd: {  	[timem:s3], [sflag:s2] =	dma.local @!p0 [hbm:s0], s1  }
0xbe: {  	s0 =	simm.s32 @!p0 $0x2  }
0xbf: {  	_ =	swait.ge @!p0 [sflag:s0], s1  }
0xc0: {  	s1 =	ssub.s32 @!p0 $0x0, s1;
	[sflag:s0] =	ssyncset.done @!p0 $0x0  }
0xc1: {  	[sflag:s0] =	ssyncadd.s32 @!p0 s1  }
0xc2: {  	[bflag:$0x3] =	sbarrier.arrive $0xFFFF  }
0xc3: {  	_ =	shalt  }

</sc_bundles>
